<compile_context>
chip_gen: v7x
topology: tpu7x:2x2x1
jax: 0.10.2.dev20260603
libtpu: 0.0.44.dev20260713+nightly
codegen_flags: <defaults>
</compile_context>

<pallas_src>
import functools

import jax
import jax.numpy as jnp
from jax import lax
from jax.experimental import pallas as pl
from jax.experimental.pallas import tpu as pltpu
from jax.experimental.pallas import tpu_sc as plsc

NROWS = 100000
D = 128
S = 2048

NC = 2
NS = 16
NW = NC * NS

CHUNK = 128
BASE_CHUNKS = 24
EXTRA_CHUNKS = (NROWS // CHUNK) - NW * BASE_CHUNKS
TAIL_BASE = (NROWS // CHUNK) * CHUNK
TAIL = NROWS - TAIL_BASE

HIST_BLOCKS = 8
HIST_B = 12544
HIST_PAD = HIST_BLOCKS * HIST_B - NROWS

_mesh = plsc.VectorSubcoreMesh(core_axis_name="c", subcore_axis_name="s")


@functools.partial(
    pl.kernel,
    out_type=jax.ShapeDtypeStruct((NC, S, D), jnp.float32),
    mesh=_mesh,
    scratch_types=[
        pltpu.VMEM_SHARED((S, D), jnp.float32),
        pltpu.VMEM((CHUNK,), jnp.int32),
        pltpu.VMEM((CHUNK,), jnp.int32),
        pltpu.VMEM((CHUNK, D), jnp.float32),
        pltpu.VMEM((CHUNK, D), jnp.float32),
        pltpu.VMEM((TAIL,), jnp.int32),
        pltpu.SemaphoreType.DMA,
        pltpu.SemaphoreType.DMA,
        pltpu.SemaphoreType.DMA,
        pltpu.SemaphoreType.DMA,
    ],
)
def _sc_segment_sums(x_hbm, batch_hbm, zsum_hbm,
                     sums_out,
                     acc_sum, idx_a, idx_b, x_a, x_b,
                     idx_t, sem_a, sem_b, ssem_a, ssem_b):
    cid = lax.axis_index("c")
    sid = lax.axis_index("s")
    wid = sid * NC + cid

    seg0 = sid * (S // NS)
    pltpu.sync_copy(zsum_hbm.at[pl.ds(seg0, S // NS)],
                    acc_sum.at[pl.ds(seg0, S // NS)])
    plsc.subcore_barrier()

    def start_load(g, idx_ref, x_ref, sem):
        base = pl.multiple_of(g * CHUNK, 8)
        pltpu.async_copy(batch_hbm.at[pl.ds(base, CHUNK)], idx_ref, sem)
        pltpu.async_copy(x_hbm.at[pl.ds(base, CHUNK), :], x_ref, sem)

    def wait_load(idx_ref, x_ref, sem):
        pltpu.make_async_copy(batch_hbm.at[pl.ds(0, CHUNK)], idx_ref, sem).wait()
        pltpu.make_async_copy(x_hbm.at[pl.ds(0, CHUNK), :], x_ref, sem).wait()

    def start_scatter(idx_ref, x_ref, ssem):
        pltpu.async_copy(x_ref, acc_sum.at[idx_ref], ssem, add=True)

    def wait_scatter(idx_ref, x_ref, ssem):
        pltpu.make_async_copy(x_ref, acc_sum.at[idx_ref], ssem).wait()

    lo = wid * BASE_CHUNKS
    start_load(lo, idx_a, x_a, sem_a)

    def body(k, carry):
        g = lo + k

        def step(cur_idx, cur_x, cur_sem, cur_ssem, nxt_idx, nxt_x, nxt_sem,
                 nxt_ssem):
            @pl.when(k + 1 < BASE_CHUNKS)
            def _():
                @pl.when(k >= 1)
                def _():
                    wait_scatter(nxt_idx, nxt_x, nxt_ssem)

                start_load(g + 1, nxt_idx, nxt_x, nxt_sem)

            wait_load(cur_idx, cur_x, cur_sem)
            start_scatter(cur_idx, cur_x, cur_ssem)

        @pl.when(k % 2 == 0)
        def _():
            step(idx_a, x_a, sem_a, ssem_a, idx_b, x_b, sem_b, ssem_b)

        @pl.when(k % 2 == 1)
        def _():
            step(idx_b, x_b, sem_b, ssem_b, idx_a, x_a, sem_a, ssem_a)

        return carry

    lax.fori_loop(0, BASE_CHUNKS, body, 0)

    wait_scatter(idx_a, x_a, ssem_a)
    wait_scatter(idx_b, x_b, ssem_b)

    @pl.when(wid < EXTRA_CHUNKS)
    def _():
        g = NW * BASE_CHUNKS + wid
        start_load(g, idx_a, x_a, sem_a)
        wait_load(idx_a, x_a, sem_a)
        start_scatter(idx_a, x_a, ssem_a)
        wait_scatter(idx_a, x_a, ssem_a)

    @pl.when(wid == NW - 1)
    def _():
        pltpu.sync_copy(batch_hbm.at[pl.ds(TAIL_BASE, TAIL)], idx_t)
        pltpu.sync_copy(x_hbm.at[pl.ds(TAIL_BASE, TAIL), :],
                        x_a.at[pl.ds(0, TAIL), :])
        pltpu.sync_copy(x_a.at[pl.ds(0, TAIL), :],
                        acc_sum.at[idx_t], add=True)

    plsc.subcore_barrier()
    pltpu.sync_copy(acc_sum.at[pl.ds(seg0, S // NS)],
                    sums_out.at[cid, pl.ds(seg0, S // NS)])


def _tc_hist_body(ids_ref, o_ref):
    i = pl.program_id(0)
    ids = ids_ref[0, 0, :]
    hh = ids >> 7
    ll = ids & 127
    hoh = (hh[:, None] == lax.broadcasted_iota(jnp.int32, (HIST_B, 16), 1))
    loh = (ll[:, None] == lax.broadcasted_iota(jnp.int32, (HIST_B, 128), 1))
    partial = lax.dot_general(
        hoh.astype(jnp.bfloat16), loh.astype(jnp.bfloat16),
        dimension_numbers=(((0,), (0,)), ((), ())),
        preferred_element_type=jnp.float32,
    )

    @pl.when(i == 0)
    def _():
        o_ref[...] = partial

    @pl.when(i > 0)
    def _():
        o_ref[...] += partial


def _tc_finish_body(s_ref, c_ref, w_ref, b_ref, o_ref):
    sums = s_ref[0] + s_ref[1]
    pooled = sums / jnp.maximum(c_ref[...], 1.0)
    o_ref[...] = (
        jnp.dot(pooled, w_ref[...], preferred_element_type=jnp.float32)
        + b_ref[...]
    )


def kernel(x, batch, W, b):
    batch = batch.astype(jnp.int32)
    zsum = jnp.zeros((S, D), jnp.float32)
    sums2 = _sc_segment_sums(x, batch, zsum)

    ids_padded = jnp.concatenate(
        [batch, jnp.full((HIST_PAD,), -1, jnp.int32)]
    ).reshape(HIST_BLOCKS, 1, HIST_B)
    hist = pl.pallas_call(
        _tc_hist_body,
        grid=(HIST_BLOCKS,),
        in_specs=[pl.BlockSpec((1, 1, HIST_B), lambda i: (i, 0, 0))],
        out_specs=pl.BlockSpec((16, 128), lambda i: (0, 0)),
        out_shape=jax.ShapeDtypeStruct((16, 128), jnp.float32),
    )(ids_padded)
    counts = hist.reshape(S, 1)

    out = pl.pallas_call(
        _tc_finish_body,
        out_shape=jax.ShapeDtypeStruct((S, D), jnp.float32),
    )(sums2, counts, W, b.reshape(1, D))
    return out

# --- scband reference (transcript-rebuilt; emitter-appended) ---
"""Pipeline reference for scband-tox21-concat-linear-77025943487119 (READ-ONLY COPY).

The authoritative reference and input builder live on the scoring server;
editing this copy changes nothing except your own understanding.
"""

import jax, jax.numpy as jnp
import numpy as np

NUM_GRAPHS = 2048

def setup_inputs(seed: int = 0) -> dict:
    key = jax.random.key(seed)
    k1, k2, k3, k4 = jax.random.split(key, 4)
    x = jax.random.normal(k1, (100000, 128), dtype=jnp.float32)
    batch = jnp.sort(jax.random.randint(k2, (100000,), 0, NUM_GRAPHS, dtype=jnp.int64))
    # exnn.Linear(out_channels=128) lazily infers in_features=128 (pooled feature dim)
    W = jax.random.normal(k3, (128, 128), dtype=jnp.float32) * (1.0 / np.sqrt(128.0))
    b = jax.random.normal(k4, (128,), dtype=jnp.float32) * 0.01
    return {"x": x, "batch": batch, "W": W, "b": b}

def reference(x, batch, W, b):
    # Tox21GlobalMeanPool: global_mean_pool(x, batch)
    sums = jax.ops.segment_sum(x, batch, num_segments=NUM_GRAPHS)
    ones = jnp.ones((x.shape[0], 1), dtype=x.dtype)
    counts = jax.ops.segment_sum(ones, batch, num_segments=NUM_GRAPHS)
    counts = jnp.maximum(counts, 1.0)
    pooled = sums / counts
    # Tox21ConcatLinear.linear (single-value path after pooling; cat of one tensor is identity)
    out = pooled @ W + b
    return out

if __name__ == "__main__":
    import jax
    _d = setup_inputs()
    print(jax.jit(kernel)(*tuple(_d.values())))

</pallas_src>

<mosaic_0001>
#map = affine_map<(d0, d1) -> (0, 0)>
#map1 = affine_map<(d0, d1) -> (0)>
#map2 = affine_map<(d0, d1) -> (0, 0, 0)>
module attributes {stable_mosaic.version = 14 : i64} {
  func.func @_sc_segment_sums(%arg0: i32, %arg1: i32, %arg2: memref<100000x128xf32, #tpu.memory_space<hbm>>, %arg3: memref<100000xi32, #tpu.memory_space<hbm>>, %arg4: memref<2048x128xf32, #tpu.memory_space<hbm>>, %arg5: memref<2x2048x128xf32, #tpu.memory_space<hbm>>, %arg6: memref<2048x128xf32, #tpu.memory_space<vmem_shared>>, %arg7: memref<128xi32, #tpu.memory_space<vmem>>, %arg8: memref<128xi32, #tpu.memory_space<vmem>>, %arg9: memref<128x128xf32, #tpu.memory_space<vmem>>, %arg10: memref<128x128xf32, #tpu.memory_space<vmem>>, %arg11: memref<32xi32, #tpu.memory_space<vmem>>, %arg12: memref<!tpu.dma_semaphore, #tpu.memory_space<semaphore_mem>>, %arg13: memref<!tpu.dma_semaphore, #tpu.memory_space<semaphore_mem>>, %arg14: memref<!tpu.dma_semaphore, #tpu.memory_space<semaphore_mem>>, %arg15: memref<!tpu.dma_semaphore, #tpu.memory_space<semaphore_mem>>) attributes {dimension_semantics = [#tpu.dimension_semantics<core_parallel>, #tpu.dimension_semantics<subcore_parallel>], iteration_bounds = array<i64: 2, 16>, scalar_prefetch = 0 : i64, scratch_operands = 10 : i64, tpu.core_type = #tpu.core_type<sc_vector_subcore>, window_params = [{transform_indices = #map}, {transform_indices = #map1}, {transform_indices = #map}, {transform_indices = #map2}]} {
    %mul3A = arith.constant 2 : i32
    %mul3A_0 = arith.muli %arg1, %mul3A : i32
    %add3A = arith.addi %mul3A_0, %arg0 : i32
    %mul3A_1 = arith.constant 128 : i32
    %mul3A_2 = arith.muli %arg1, %mul3A_1 : i32
    "tpu.region"() ({
      %run_scoped3A = tpu.sem_alloc : memref<!tpu.dma_semaphore, #tpu.memory_space<semaphore_mem>>
      %dma_start3A_29 = arith.constant 0 : i32
      %dma_start3A_30 = tpu.memref_slice %arg6[%mul3A_2, %dma_start3A_29] : memref<2048x128xf32, #tpu.memory_space<vmem_shared>> -> memref<128x128xf32, #tpu.memory_space<vmem_shared>>
      %dma_start3A_31 = arith.constant 0 : i32
      %dma_start3A_32 = tpu.memref_slice %arg4[%mul3A_2, %dma_start3A_31] : memref<2048x128xf32, #tpu.memory_space<hbm>> -> memref<128x128xf32, #tpu.memory_space<hbm>>
      tpu.enqueue_dma source(%dma_start3A_32 : memref<128x128xf32, #tpu.memory_space<hbm>>) target(%dma_start3A_30 : memref<128x128xf32, #tpu.memory_space<vmem_shared>>) target_semaphore(%run_scoped3A : memref<!tpu.dma_semaphore, #tpu.memory_space<semaphore_mem>>)
      %dma_wait3A_33 = arith.constant 0 : i32
      %dma_wait3A_34 = tpu.memref_slice %arg6[%mul3A_2, %dma_wait3A_33] : memref<2048x128xf32, #tpu.memory_space<vmem_shared>> -> memref<128x128xf32, #tpu.memory_space<vmem_shared>>
      %dma_wait3A_35 = arith.constant 0 : i32
      %dma_wait3A_36 = tpu.memref_slice %arg4[%mul3A_2, %dma_wait3A_35] : memref<2048x128xf32, #tpu.memory_space<hbm>> -> memref<128x128xf32, #tpu.memory_space<hbm>>
      tpu.wait_dma2 semaphore(%run_scoped3A : memref<!tpu.dma_semaphore, #tpu.memory_space<semaphore_mem>>) src(%dma_wait3A_36 : memref<128x128xf32, #tpu.memory_space<hbm>>) dst(%dma_wait3A_34 : memref<128x128xf32, #tpu.memory_space<vmem_shared>>)
      tpu.yield
    }) : () -> ()
    %barrier3A = arith.constant 0 : index
    tpu.barrier barrier_id(%barrier3A)
    %mul3A_3 = arith.constant 24 : i32
    %mul3A_4 = arith.muli %add3A, %mul3A_3 : i32
    %mul3A_5 = arith.constant 128 : i32
    %mul3A_6 = arith.muli %mul3A_4, %mul3A_5 : i32
    %multiple_of3A = tpu.assume_multiple %mul3A_6, 8 : i32
    %dma_start3A = tpu.memref_slice %arg3[%multiple_of3A] : memref<100000xi32, #tpu.memory_space<hbm>> -> memref<128xi32, #tpu.memory_space<hbm>>
    %dma_start3A_7 = tpu.memref_slice %arg3[%multiple_of3A] : memref<100000xi32, #tpu.memory_space<hbm>> -> memref<128xi32, #tpu.memory_space<hbm>>
    tpu.enqueue_dma source(%dma_start3A_7 : memref<128xi32, #tpu.memory_space<hbm>>) target(%arg7 : memref<128xi32, #tpu.memory_space<vmem>>) target_semaphore(%arg12 : memref<!tpu.dma_semaphore, #tpu.memory_space<semaphore_mem>>)
    %dma_start3A_8 = arith.constant 0 : i32
    %dma_start3A_9 = tpu.memref_slice %arg2[%multiple_of3A, %dma_start3A_8] : memref<100000x128xf32, #tpu.memory_space<hbm>> -> memref<128x128xf32, #tpu.memory_space<hbm>>
    %dma_start3A_10 = arith.constant 0 : i32
    %dma_start3A_11 = tpu.memref_slice %arg2[%multiple_of3A, %dma_start3A_10] : memref<100000x128xf32, #tpu.memory_space<hbm>> -> memref<128x128xf32, #tpu.memory_space<hbm>>
    tpu.enqueue_dma source(%dma_start3A_11 : memref<128x128xf32, #tpu.memory_space<hbm>>) target(%arg9 : memref<128x128xf32, #tpu.memory_space<vmem>>) target_semaphore(%arg12 : memref<!tpu.dma_semaphore, #tpu.memory_space<semaphore_mem>>)
    %scan3A = arith.constant 0 : i32
    %scan3A_12 = arith.constant 0 : i32
    %scan3A_13 = arith.constant 24 : i32
    %scan3A_14 = arith.addi %scan3A_12, %scan3A_13 : i32
    %scan3A_15 = arith.constant 1 : i32
    scf.for %scan3A_29 = %scan3A_12 to %scan3A_14 step %scan3A_15  : i32 {
      %add3A_30 = arith.addi %mul3A_4, %scan3A_29 : i32
      %jit3A = arith.constant 2 : i32
      %eq3A_31 = arith.constant 0 : i32
      %eq3A_32 = arith.cmpi eq, %jit3A, %eq3A_31 : i32
      %jit3A_33 = arith.constant 1 : i32
      %select_n3A = arith.select %eq3A_32, %jit3A_33, %jit3A : i32
      %rem3A = arith.remsi %scan3A_29, %select_n3A : i32
      %ne3A = arith.constant 0 : i32
      %ne3A_34 = arith.cmpi ne, %rem3A, %ne3A : i32
      %lt3A_35 = arith.constant 0 : i32
      %lt3A_36 = arith.cmpi slt, %rem3A, %lt3A_35 : i32
      %lt3A_37 = arith.constant 0 : i32
      %lt3A_38 = arith.cmpi slt, %select_n3A, %lt3A_37 : i32
      %ne3A_39 = arith.xori %lt3A_36, %lt3A_38 : i1
      %and3A = arith.andi %ne3A_39, %ne3A_34 : i1
      %add3A_40 = arith.addi %rem3A, %select_n3A : i32
      %select_n3A_41 = arith.select %and3A, %add3A_40, %rem3A : i32
      %eq3A_42 = arith.constant 0 : i32
      %eq3A_43 = arith.cmpi eq, %select_n3A_41, %eq3A_42 : i32
      %convert_element_type3A_44 = arith.extui %eq3A_43 : i1 to i32
      %cond3A_45 = arith.constant 0 : i32
      %cond3A_46 = arith.cmpi ne, %convert_element_type3A_44, %cond3A_45 : i32
      scf.if %cond3A_46 {
        %add3A_68 = arith.constant 1 : i32
        %add3A_69 = arith.addi %scan3A_29, %add3A_68 : i32
        %lt3A_70 = arith.constant 24 : i32
        %lt3A_71 = arith.cmpi slt, %add3A_69, %lt3A_70 : i32
        %convert_element_type3A_72 = arith.extui %lt3A_71 : i1 to i32
        %cond3A_73 = arith.constant 0 : i32
        %cond3A_74 = arith.cmpi ne, %convert_element_type3A_72, %cond3A_73 : i32
        scf.if %cond3A_74 {
          %ge3A = arith.constant 1 : i32
          %ge3A_88 = arith.cmpi sge, %scan3A_29, %ge3A : i32
          %convert_element_type3A_89 = arith.extui %ge3A_88 : i1 to i32
          %cond3A_90 = arith.constant 0 : i32
          %cond3A_91 = arith.cmpi ne, %convert_element_type3A_89, %cond3A_90 : i32
          scf.if %cond3A_91 {
            %dma_wait3A_103 = arith.constant 0 : i32
            %dma_wait3A_104 = arith.constant 0 : i32
            %dma_wait3A_105 = tpu.memref_slice %arg6[%dma_wait3A_103, %dma_wait3A_104] : memref<2048x128xf32, #tpu.memory_space<vmem_shared>> -> memref<2048x128xf32, #tpu.memory_space<vmem_shared>>
            tpu.wait_indirect_dma semaphore(%arg15 : memref<!tpu.dma_semaphore, #tpu.memory_space<semaphore_mem>>) src(%arg10 : memref<128x128xf32, #tpu.memory_space<vmem>>) dst(%dma_wait3A_105 : memref<2048x128xf32, #tpu.memory_space<vmem_shared>>)
          } else {
          }
          %add3A_92 = arith.constant 1 : i32
          %add3A_93 = arith.addi %add3A_30, %add3A_92 : i32
          %mul3A_94 = arith.constant 128 : i32
          %mul3A_95 = arith.muli %add3A_93, %mul3A_94 : i32
          %multiple_of3A_96 = tpu.assume_multiple %mul3A_95, 8 : i32
          %dma_start3A_97 = tpu.memref_slice %arg3[%multiple_of3A_96] : memref<100000xi32, #tpu.memory_space<hbm>> -> memref<128xi32, #tpu.memory_space<hbm>>
          %dma_start3A_98 = tpu.memref_slice %arg3[%multiple_of3A_96] : memref<100000xi32, #tpu.memory_space<hbm>> -> memref<128xi32, #tpu.memory_space<hbm>>
          tpu.enqueue_dma source(%dma_start3A_98 : memref<128xi32, #tpu.memory_space<hbm>>) target(%arg8 : memref<128xi32, #tpu.memory_space<vmem>>) target_semaphore(%arg13 : memref<!tpu.dma_semaphore, #tpu.memory_space<semaphore_mem>>)
          %dma_start3A_99 = arith.constant 0 : i32
          %dma_start3A_100 = tpu.memref_slice %arg2[%multiple_of3A_96, %dma_start3A_99] : memref<100000x128xf32, #tpu.memory_space<hbm>> -> memref<128x128xf32, #tpu.memory_space<hbm>>
          %dma_start3A_101 = arith.constant 0 : i32
          %dma_start3A_102 = tpu.memref_slice %arg2[%multiple_of3A_96, %dma_start3A_101] : memref<100000x128xf32, #tpu.memory_space<hbm>> -> memref<128x128xf32, #tpu.memory_space<hbm>>
          tpu.enqueue_dma source(%dma_start3A_102 : memref<128x128xf32, #tpu.memory_space<hbm>>) target(%arg10 : memref<128x128xf32, #tpu.memory_space<vmem>>) target_semaphore(%arg13 : memref<!tpu.dma_semaphore, #tpu.memory_space<semaphore_mem>>)
        } else {
        }
        %dma_wait3A_75 = arith.constant 0 : i32
        %dma_wait3A_76 = tpu.memref_slice %arg3[%dma_wait3A_75] : memref<100000xi32, #tpu.memory_space<hbm>> -> memref<128xi32, #tpu.memory_space<hbm>>
        %dma_wait3A_77 = arith.constant 0 : i32
        %dma_wait3A_78 = tpu.memref_slice %arg3[%dma_wait3A_77] : memref<100000xi32, #tpu.memory_space<hbm>> -> memref<128xi32, #tpu.memory_space<hbm>>
        tpu.wait_dma2 semaphore(%arg12 : memref<!tpu.dma_semaphore, #tpu.memory_space<semaphore_mem>>) src(%dma_wait3A_78 : memref<128xi32, #tpu.memory_space<hbm>>) dst(%arg7 : memref<128xi32, #tpu.memory_space<vmem>>)
        %dma_wait3A_79 = arith.constant 0 : i32
        %dma_wait3A_80 = arith.constant 0 : i32
        %dma_wait3A_81 = tpu.memref_slice %arg2[%dma_wait3A_79, %dma_wait3A_80] : memref<100000x128xf32, #tpu.memory_space<hbm>> -> memref<128x128xf32, #tpu.memory_space<hbm>>
        %dma_wait3A_82 = arith.constant 0 : i32
        %dma_wait3A_83 = arith.constant 0 : i32
        %dma_wait3A_84 = tpu.memref_slice %arg2[%dma_wait3A_82, %dma_wait3A_83] : memref<100000x128xf32, #tpu.memory_space<hbm>> -> memref<128x128xf32, #tpu.memory_space<hbm>>
        tpu.wait_dma2 semaphore(%arg12 : memref<!tpu.dma_semaphore, #tpu.memory_space<semaphore_mem>>) src(%dma_wait3A_84 : memref<128x128xf32, #tpu.memory_space<hbm>>) dst(%arg9 : memref<128x128xf32, #tpu.memory_space<vmem>>)
        %dma_start3A_85 = arith.constant 0 : i32
        %dma_start3A_86 = arith.constant 0 : i32
        %dma_start3A_87 = tpu.memref_slice %arg6[%dma_start3A_85, %dma_start3A_86] : memref<2048x128xf32, #tpu.memory_space<vmem_shared>> -> memref<2048x128xf32, #tpu.memory_space<vmem_shared>>
        tpu.enqueue_indirect_dma source(%arg9 : memref<128x128xf32, #tpu.memory_space<vmem>>) target(%dma_start3A_87 : memref<2048x128xf32, #tpu.memory_space<vmem_shared>>) offsets(%arg7 : memref<128xi32, #tpu.memory_space<vmem>>) semaphore(%arg14 : memref<!tpu.dma_semaphore, #tpu.memory_space<semaphore_mem>>) {add = true}
      } else {
      }
      %jit3A_47 = arith.constant 2 : i32
      %eq3A_48 = arith.constant 0 : i32
      %eq3A_49 = arith.cmpi eq, %jit3A_47, %eq3A_48 : i32
      %jit3A_50 = arith.constant 1 : i32
      %select_n3A_51 = arith.select %eq3A_49, %jit3A_50, %jit3A_47 : i32
      %rem3A_52 = arith.remsi %scan3A_29, %select_n3A_51 : i32
      %ne3A_53 = arith.constant 0 : i32
      %ne3A_54 = arith.cmpi ne, %rem3A_52, %ne3A_53 : i32
      %lt3A_55 = arith.constant 0 : i32
      %lt3A_56 = arith.cmpi slt, %rem3A_52, %lt3A_55 : i32
      %lt3A_57 = arith.constant 0 : i32
      %lt3A_58 = arith.cmpi slt, %select_n3A_51, %lt3A_57 : i32
      %ne3A_59 = arith.xori %lt3A_56, %lt3A_58 : i1
      %and3A_60 = arith.andi %ne3A_59, %ne3A_54 : i1
      %add3A_61 = arith.addi %rem3A_52, %select_n3A_51 : i32
      %select_n3A_62 = arith.select %and3A_60, %add3A_61, %rem3A_52 : i32
      %eq3A_63 = arith.constant 1 : i32
      %eq3A_64 = arith.cmpi eq, %select_n3A_62, %eq3A_63 : i32
      %convert_element_type3A_65 = arith.extui %eq3A_64 : i1 to i32
      %cond3A_66 = arith.constant 0 : i32
      %cond3A_67 = arith.cmpi ne, %convert_element_type3A_65, %cond3A_66 : i32
      scf.if %cond3A_67 {
        %add3A_68 = arith.constant 1 : i32
        %add3A_69 = arith.addi %scan3A_29, %add3A_68 : i32
        %lt3A_70 = arith.constant 24 : i32
        %lt3A_71 = arith.cmpi slt, %add3A_69, %lt3A_70 : i32
        %convert_element_type3A_72 = arith.extui %lt3A_71 : i1 to i32
        %cond3A_73 = arith.constant 0 : i32
        %cond3A_74 = arith.cmpi ne, %convert_element_type3A_72, %cond3A_73 : i32
        scf.if %cond3A_74 {
          %ge3A = arith.constant 1 : i32
          %ge3A_88 = arith.cmpi sge, %scan3A_29, %ge3A : i32
          %convert_element_type3A_89 = arith.extui %ge3A_88 : i1 to i32
          %cond3A_90 = arith.constant 0 : i32
          %cond3A_91 = arith.cmpi ne, %convert_element_type3A_89, %cond3A_90 : i32
          scf.if %cond3A_91 {
            %dma_wait3A_103 = arith.constant 0 : i32
            %dma_wait3A_104 = arith.constant 0 : i32
            %dma_wait3A_105 = tpu.memref_slice %arg6[%dma_wait3A_103, %dma_wait3A_104] : memref<2048x128xf32, #tpu.memory_space<vmem_shared>> -> memref<2048x128xf32, #tpu.memory_space<vmem_shared>>
            tpu.wait_indirect_dma semaphore(%arg14 : memref<!tpu.dma_semaphore, #tpu.memory_space<semaphore_mem>>) src(%arg9 : memref<128x128xf32, #tpu.memory_space<vmem>>) dst(%dma_wait3A_105 : memref<2048x128xf32, #tpu.memory_space<vmem_shared>>)
          } else {
          }
          %add3A_92 = arith.constant 1 : i32
          %add3A_93 = arith.addi %add3A_30, %add3A_92 : i32
          %mul3A_94 = arith.constant 128 : i32
          %mul3A_95 = arith.muli %add3A_93, %mul3A_94 : i32
          %multiple_of3A_96 = tpu.assume_multiple %mul3A_95, 8 : i32
          %dma_start3A_97 = tpu.memref_slice %arg3[%multiple_of3A_96] : memref<100000xi32, #tpu.memory_space<hbm>> -> memref<128xi32, #tpu.memory_space<hbm>>
          %dma_start3A_98 = tpu.memref_slice %arg3[%multiple_of3A_96] : memref<100000xi32, #tpu.memory_space<hbm>> -> memref<128xi32, #tpu.memory_space<hbm>>
          tpu.enqueue_dma source(%dma_start3A_98 : memref<128xi32, #tpu.memory_space<hbm>>) target(%arg7 : memref<128xi32, #tpu.memory_space<vmem>>) target_semaphore(%arg12 : memref<!tpu.dma_semaphore, #tpu.memory_space<semaphore_mem>>)
          %dma_start3A_99 = arith.constant 0 : i32
          %dma_start3A_100 = tpu.memref_slice %arg2[%multiple_of3A_96, %dma_start3A_99] : memref<100000x128xf32, #tpu.memory_space<hbm>> -> memref<128x128xf32, #tpu.memory_space<hbm>>
          %dma_start3A_101 = arith.constant 0 : i32
          %dma_start3A_102 = tpu.memref_slice %arg2[%multiple_of3A_96, %dma_start3A_101] : memref<100000x128xf32, #tpu.memory_space<hbm>> -> memref<128x128xf32, #tpu.memory_space<hbm>>
          tpu.enqueue_dma source(%dma_start3A_102 : memref<128x128xf32, #tpu.memory_space<hbm>>) target(%arg9 : memref<128x128xf32, #tpu.memory_space<vmem>>) target_semaphore(%arg12 : memref<!tpu.dma_semaphore, #tpu.memory_space<semaphore_mem>>)
        } else {
        }
        %dma_wait3A_75 = arith.constant 0 : i32
        %dma_wait3A_76 = tpu.memref_slice %arg3[%dma_wait3A_75] : memref<100000xi32, #tpu.memory_space<hbm>> -> memref<128xi32, #tpu.memory_space<hbm>>
        %dma_wait3A_77 = arith.constant 0 : i32
        %dma_wait3A_78 = tpu.memref_slice %arg3[%dma_wait3A_77] : memref<100000xi32, #tpu.memory_space<hbm>> -> memref<128xi32, #tpu.memory_space<hbm>>
        tpu.wait_dma2 semaphore(%arg13 : memref<!tpu.dma_semaphore, #tpu.memory_space<semaphore_mem>>) src(%dma_wait3A_78 : memref<128xi32, #tpu.memory_space<hbm>>) dst(%arg8 : memref<128xi32, #tpu.memory_space<vmem>>)
        %dma_wait3A_79 = arith.constant 0 : i32
        %dma_wait3A_80 = arith.constant 0 : i32
        %dma_wait3A_81 = tpu.memref_slice %arg2[%dma_wait3A_79, %dma_wait3A_80] : memref<100000x128xf32, #tpu.memory_space<hbm>> -> memref<128x128xf32, #tpu.memory_space<hbm>>
        %dma_wait3A_82 = arith.constant 0 : i32
        %dma_wait3A_83 = arith.constant 0 : i32
        %dma_wait3A_84 = tpu.memref_slice %arg2[%dma_wait3A_82, %dma_wait3A_83] : memref<100000x128xf32, #tpu.memory_space<hbm>> -> memref<128x128xf32, #tpu.memory_space<hbm>>
        tpu.wait_dma2 semaphore(%arg13 : memref<!tpu.dma_semaphore, #tpu.memory_space<semaphore_mem>>) src(%dma_wait3A_84 : memref<128x128xf32, #tpu.memory_space<hbm>>) dst(%arg10 : memref<128x128xf32, #tpu.memory_space<vmem>>)
        %dma_start3A_85 = arith.constant 0 : i32
        %dma_start3A_86 = arith.constant 0 : i32
        %dma_start3A_87 = tpu.memref_slice %arg6[%dma_start3A_85, %dma_start3A_86] : memref<2048x128xf32, #tpu.memory_space<vmem_shared>> -> memref<2048x128xf32, #tpu.memory_space<vmem_shared>>
        tpu.enqueue_indirect_dma source(%arg10 : memref<128x128xf32, #tpu.memory_space<vmem>>) target(%dma_start3A_87 : memref<2048x128xf32, #tpu.memory_space<vmem_shared>>) offsets(%arg8 : memref<128xi32, #tpu.memory_space<vmem>>) semaphore(%arg15 : memref<!tpu.dma_semaphore, #tpu.memory_space<semaphore_mem>>) {add = true}
      } else {
      }
    }
    %scan3A_16 = arith.constant 24 : i32
    %dma_wait3A = arith.constant 0 : i32
    %dma_wait3A_17 = arith.constant 0 : i32
    %dma_wait3A_18 = tpu.memref_slice %arg6[%dma_wait3A, %dma_wait3A_17] : memref<2048x128xf32, #tpu.memory_space<vmem_shared>> -> memref<2048x128xf32, #tpu.memory_space<vmem_shared>>
    tpu.wait_indirect_dma semaphore(%arg14 : memref<!tpu.dma_semaphore, #tpu.memory_space<semaphore_mem>>) src(%arg9 : memref<128x128xf32, #tpu.memory_space<vmem>>) dst(%dma_wait3A_18 : memref<2048x128xf32, #tpu.memory_space<vmem_shared>>)
    %dma_wait3A_19 = arith.constant 0 : i32
    %dma_wait3A_20 = arith.constant 0 : i32
    %dma_wait3A_21 = tpu.memref_slice %arg6[%dma_wait3A_19, %dma_wait3A_20] : memref<2048x128xf32, #tpu.memory_space<vmem_shared>> -> memref<2048x128xf32, #tpu.memory_space<vmem_shared>>
    tpu.wait_indirect_dma semaphore(%arg15 : memref<!tpu.dma_semaphore, #tpu.memory_space<semaphore_mem>>) src(%arg10 : memref<128x128xf32, #tpu.memory_space<vmem>>) dst(%dma_wait3A_21 : memref<2048x128xf32, #tpu.memory_space<vmem_shared>>)
    %lt3A = arith.constant 13 : i32
    %lt3A_22 = arith.cmpi slt, %add3A, %lt3A : i32
    %convert_element_type3A = arith.extui %lt3A_22 : i1 to i32
    %cond3A = arith.constant 0 : i32
    %cond3A_23 = arith.cmpi ne, %convert_element_type3A, %cond3A : i32
    scf.if %cond3A_23 {
      %add3A_29 = arith.constant 768 : i32
      %add3A_30 = arith.addi %add3A_29, %add3A : i32
      %mul3A_31 = arith.constant 128 : i32
      %mul3A_32 = arith.muli %add3A_30, %mul3A_31 : i32
      %multiple_of3A_33 = tpu.assume_multiple %mul3A_32, 8 : i32
      %dma_start3A_34 = tpu.memref_slice %arg3[%multiple_of3A_33] : memref<100000xi32, #tpu.memory_space<hbm>> -> memref<128xi32, #tpu.memory_space<hbm>>
      %dma_start3A_35 = tpu.memref_slice %arg3[%multiple_of3A_33] : memref<100000xi32, #tpu.memory_space<hbm>> -> memref<128xi32, #tpu.memory_space<hbm>>
      tpu.enqueue_dma source(%dma_start3A_35 : memref<128xi32, #tpu.memory_space<hbm>>) target(%arg7 : memref<128xi32, #tpu.memory_space<vmem>>) target_semaphore(%arg12 : memref<!tpu.dma_semaphore, #tpu.memory_space<semaphore_mem>>)
      %dma_start3A_36 = arith.constant 0 : i32
      %dma_start3A_37 = tpu.memref_slice %arg2[%multiple_of3A_33, %dma_start3A_36] : memref<100000x128xf32, #tpu.memory_space<hbm>> -> memref<128x128xf32, #tpu.memory_space<hbm>>
      %dma_start3A_38 = arith.constant 0 : i32
      %dma_start3A_39 = tpu.memref_slice %arg2[%multiple_of3A_33, %dma_start3A_38] : memref<100000x128xf32, #tpu.memory_space<hbm>> -> memref<128x128xf32, #tpu.memory_space<hbm>>
      tpu.enqueue_dma source(%dma_start3A_39 : memref<128x128xf32, #tpu.memory_space<hbm>>) target(%arg9 : memref<128x128xf32, #tpu.memory_space<vmem>>) target_semaphore(%arg12 : memref<!tpu.dma_semaphore, #tpu.memory_space<semaphore_mem>>)
      %dma_wait3A_40 = arith.constant 0 : i32
      %dma_wait3A_41 = tpu.memref_slice %arg3[%dma_wait3A_40] : memref<100000xi32, #tpu.memory_space<hbm>> -> memref<128xi32, #tpu.memory_space<hbm>>
      %dma_wait3A_42 = arith.constant 0 : i32
      %dma_wait3A_43 = tpu.memref_slice %arg3[%dma_wait3A_42] : memref<100000xi32, #tpu.memory_space<hbm>> -> memref<128xi32, #tpu.memory_space<hbm>>
      tpu.wait_dma2 semaphore(%arg12 : memref<!tpu.dma_semaphore, #tpu.memory_space<semaphore_mem>>) src(%dma_wait3A_43 : memref<128xi32, #tpu.memory_space<hbm>>) dst(%arg7 : memref<128xi32, #tpu.memory_space<vmem>>)
      %dma_wait3A_44 = arith.constant 0 : i32
      %dma_wait3A_45 = arith.constant 0 : i32
      %dma_wait3A_46 = tpu.memref_slice %arg2[%dma_wait3A_44, %dma_wait3A_45] : memref<100000x128xf32, #tpu.memory_space<hbm>> -> memref<128x128xf32, #tpu.memory_space<hbm>>
      %dma_wait3A_47 = arith.constant 0 : i32
      %dma_wait3A_48 = arith.constant 0 : i32
      %dma_wait3A_49 = tpu.memref_slice %arg2[%dma_wait3A_47, %dma_wait3A_48] : memref<100000x128xf32, #tpu.memory_space<hbm>> -> memref<128x128xf32, #tpu.memory_space<hbm>>
      tpu.wait_dma2 semaphore(%arg12 : memref<!tpu.dma_semaphore, #tpu.memory_space<semaphore_mem>>) src(%dma_wait3A_49 : memref<128x128xf32, #tpu.memory_space<hbm>>) dst(%arg9 : memref<128x128xf32, #tpu.memory_space<vmem>>)
      %dma_start3A_50 = arith.constant 0 : i32
      %dma_start3A_51 = arith.constant 0 : i32
      %dma_start3A_52 = tpu.memref_slice %arg6[%dma_start3A_50, %dma_start3A_51] : memref<2048x128xf32, #tpu.memory_space<vmem_shared>> -> memref<2048x128xf32, #tpu.memory_space<vmem_shared>>
      tpu.enqueue_indirect_dma source(%arg9 : memref<128x128xf32, #tpu.memory_space<vmem>>) target(%dma_start3A_52 : memref<2048x128xf32, #tpu.memory_space<vmem_shared>>) offsets(%arg7 : memref<128xi32, #tpu.memory_space<vmem>>) semaphore(%arg14 : memref<!tpu.dma_semaphore, #tpu.memory_space<semaphore_mem>>) {add = true}
      %dma_wait3A_53 = arith.constant 0 : i32
      %dma_wait3A_54 = arith.constant 0 : i32
      %dma_wait3A_55 = tpu.memref_slice %arg6[%dma_wait3A_53, %dma_wait3A_54] : memref<2048x128xf32, #tpu.memory_space<vmem_shared>> -> memref<2048x128xf32, #tpu.memory_space<vmem_shared>>
      tpu.wait_indirect_dma semaphore(%arg14 : memref<!tpu.dma_semaphore, #tpu.memory_space<semaphore_mem>>) src(%arg9 : memref<128x128xf32, #tpu.memory_space<vmem>>) dst(%dma_wait3A_55 : memref<2048x128xf32, #tpu.memory_space<vmem_shared>>)
    } else {
    }
    %eq3A = arith.constant 31 : i32
    %eq3A_24 = arith.cmpi eq, %add3A, %eq3A : i32
    %convert_element_type3A_25 = arith.extui %eq3A_24 : i1 to i32
    %cond3A_26 = arith.constant 0 : i32
    %cond3A_27 = arith.cmpi ne, %convert_element_type3A_25, %cond3A_26 : i32
    scf.if %cond3A_27 {
      "tpu.region"() ({
        %run_scoped3A = tpu.sem_alloc : memref<!tpu.dma_semaphore, #tpu.memory_space<semaphore_mem>>
        %dma_start3A_29 = arith.constant 99968 : i32
        %dma_start3A_30 = tpu.memref_slice %arg3[%dma_start3A_29] : memref<100000xi32, #tpu.memory_space<hbm>> -> memref<32xi32, #tpu.memory_space<hbm>>
        %dma_start3A_31 = arith.constant 99968 : i32
        %dma_start3A_32 = tpu.memref_slice %arg3[%dma_start3A_31] : memref<100000xi32, #tpu.memory_space<hbm>> -> memref<32xi32, #tpu.memory_space<hbm>>
        tpu.enqueue_dma source(%dma_start3A_32 : memref<32xi32, #tpu.memory_space<hbm>>) target(%arg11 : memref<32xi32, #tpu.memory_space<vmem>>) target_semaphore(%run_scoped3A : memref<!tpu.dma_semaphore, #tpu.memory_space<semaphore_mem>>)
        %dma_wait3A_33 = arith.constant 99968 : i32
        %dma_wait3A_34 = tpu.memref_slice %arg3[%dma_wait3A_33] : memref<100000xi32, #tpu.memory_space<hbm>> -> memref<32xi32, #tpu.memory_space<hbm>>
        %dma_wait3A_35 = arith.constant 99968 : i32
        %dma_wait3A_36 = tpu.memref_slice %arg3[%dma_wait3A_35] : memref<100000xi32, #tpu.memory_space<hbm>> -> memref<32xi32, #tpu.memory_space<hbm>>
        tpu.wait_dma2 semaphore(%run_scoped3A : memref<!tpu.dma_semaphore, #tpu.memory_space<semaphore_mem>>) src(%dma_wait3A_36 : memref<32xi32, #tpu.memory_space<hbm>>) dst(%arg11 : memref<32xi32, #tpu.memory_space<vmem>>)
        tpu.yield
      }) : () -> ()
      "tpu.region"() ({
        %run_scoped3A = tpu.sem_alloc : memref<!tpu.dma_semaphore, #tpu.memory_space<semaphore_mem>>
        %dma_start3A_29 = arith.constant 0 : i32
        %dma_start3A_30 = arith.constant 0 : i32
        %dma_start3A_31 = tpu.memref_slice %arg9[%dma_start3A_29, %dma_start3A_30] : memref<128x128xf32, #tpu.memory_space<vmem>> -> memref<32x128xf32, #tpu.memory_space<vmem>>
        %dma_start3A_32 = arith.constant 99968 : i32
        %dma_start3A_33 = arith.constant 0 : i32
        %dma_start3A_34 = tpu.memref_slice %arg2[%dma_start3A_32, %dma_start3A_33] : memref<100000x128xf32, #tpu.memory_space<hbm>> -> memref<32x128xf32, #tpu.memory_space<hbm>>
        %dma_start3A_35 = arith.constant 0 : i32
        %dma_start3A_36 = arith.constant 0 : i32
        %dma_start3A_37 = tpu.memref_slice %arg9[%dma_start3A_35, %dma_start3A_36] : memref<128x128xf32, #tpu.memory_space<vmem>> -> memref<32x128xf32, #tpu.memory_space<vmem>>
        %dma_start3A_38 = arith.constant 99968 : i32
        %dma_start3A_39 = arith.constant 0 : i32
        %dma_start3A_40 = tpu.memref_slice %arg2[%dma_start3A_38, %dma_start3A_39] : memref<100000x128xf32, #tpu.memory_space<hbm>> -> memref<32x128xf32, #tpu.memory_space<hbm>>
        tpu.enqueue_dma source(%dma_start3A_40 : memref<32x128xf32, #tpu.memory_space<hbm>>) target(%dma_start3A_37 : memref<32x128xf32, #tpu.memory_space<vmem>>) target_semaphore(%run_scoped3A : memref<!tpu.dma_semaphore, #tpu.memory_space<semaphore_mem>>)
        %dma_wait3A_41 = arith.constant 0 : i32
        %dma_wait3A_42 = arith.constant 0 : i32
        %dma_wait3A_43 = tpu.memref_slice %arg9[%dma_wait3A_41, %dma_wait3A_42] : memref<128x128xf32, #tpu.memory_space<vmem>> -> memref<32x128xf32, #tpu.memory_space<vmem>>
        %dma_wait3A_44 = arith.constant 99968 : i32
        %dma_wait3A_45 = arith.constant 0 : i32
        %dma_wait3A_46 = tpu.memref_slice %arg2[%dma_wait3A_44, %dma_wait3A_45] : memref<100000x128xf32, #tpu.memory_space<hbm>> -> memref<32x128xf32, #tpu.memory_space<hbm>>
        %dma_wait3A_47 = arith.constant 0 : i32
        %dma_wait3A_48 = arith.constant 0 : i32
        %dma_wait3A_49 = tpu.memref_slice %arg9[%dma_wait3A_47, %dma_wait3A_48] : memref<128x128xf32, #tpu.memory_space<vmem>> -> memref<32x128xf32, #tpu.memory_space<vmem>>
        %dma_wait3A_50 = arith.constant 99968 : i32
        %dma_wait3A_51 = arith.constant 0 : i32
        %dma_wait3A_52 = tpu.memref_slice %arg2[%dma_wait3A_50, %dma_wait3A_51] : memref<100000x128xf32, #tpu.memory_space<hbm>> -> memref<32x128xf32, #tpu.memory_space<hbm>>
        tpu.wait_dma2 semaphore(%run_scoped3A : memref<!tpu.dma_semaphore, #tpu.memory_space<semaphore_mem>>) src(%dma_wait3A_52 : memref<32x128xf32, #tpu.memory_space<hbm>>) dst(%dma_wait3A_49 : memref<32x128xf32, #tpu.memory_space<vmem>>)
        tpu.yield
      }) : () -> ()
      "tpu.region"() ({
        %run_scoped3A = tpu.sem_alloc : memref<!tpu.dma_semaphore, #tpu.memory_space<semaphore_mem>>
        %dma_start3A_29 = arith.constant 0 : i32
        %dma_start3A_30 = arith.constant 0 : i32
        %dma_start3A_31 = tpu.memref_slice %arg9[%dma_start3A_29, %dma_start3A_30] : memref<128x128xf32, #tpu.memory_space<vmem>> -> memref<32x128xf32, #tpu.memory_space<vmem>>
        %dma_start3A_32 = arith.constant 0 : i32
        %dma_start3A_33 = arith.constant 0 : i32
        %dma_start3A_34 = tpu.memref_slice %arg6[%dma_start3A_32, %dma_start3A_33] : memref<2048x128xf32, #tpu.memory_space<vmem_shared>> -> memref<2048x128xf32, #tpu.memory_space<vmem_shared>>
        tpu.enqueue_indirect_dma source(%dma_start3A_31 : memref<32x128xf32, #tpu.memory_space<vmem>>) target(%dma_start3A_34 : memref<2048x128xf32, #tpu.memory_space<vmem_shared>>) offsets(%arg11 : memref<32xi32, #tpu.memory_space<vmem>>) semaphore(%run_scoped3A : memref<!tpu.dma_semaphore, #tpu.memory_space<semaphore_mem>>) {add = true}
        %dma_wait3A_35 = arith.constant 0 : i32
        %dma_wait3A_36 = arith.constant 0 : i32
        %dma_wait3A_37 = tpu.memref_slice %arg9[%dma_wait3A_35, %dma_wait3A_36] : memref<128x128xf32, #tpu.memory_space<vmem>> -> memref<32x128xf32, #tpu.memory_space<vmem>>
        %dma_wait3A_38 = arith.constant 0 : i32
        %dma_wait3A_39 = arith.constant 0 : i32
        %dma_wait3A_40 = tpu.memref_slice %arg6[%dma_wait3A_38, %dma_wait3A_39] : memref<2048x128xf32, #tpu.memory_space<vmem_shared>> -> memref<2048x128xf32, #tpu.memory_space<vmem_shared>>
        tpu.wait_indirect_dma semaphore(%run_scoped3A : memref<!tpu.dma_semaphore, #tpu.memory_space<semaphore_mem>>) src(%dma_wait3A_37 : memref<32x128xf32, #tpu.memory_space<vmem>>) dst(%dma_wait3A_40 : memref<2048x128xf32, #tpu.memory_space<vmem_shared>>)
        tpu.yield
      }) : () -> ()
    } else {
    }
    %barrier3A_28 = arith.constant 0 : index
    tpu.barrier barrier_id(%barrier3A_28)
    "tpu.region"() ({
      %run_scoped3A = tpu.sem_alloc : memref<!tpu.dma_semaphore, #tpu.memory_space<semaphore_mem>>
      %dma_start3A_29 = arith.constant 0 : i32
      %dma_start3A_30 = tpu.memref_slice %arg5[%arg0, %mul3A_2, %dma_start3A_29] : memref<2x2048x128xf32, #tpu.memory_space<hbm>> -> memref<1x128x128xf32, #tpu.memory_space<hbm>>
      %dma_start3A_31 = tpu.memref_squeeze %dma_start3A_30 : memref<1x128x128xf32, #tpu.memory_space<hbm>> -> memref<128x128xf32, #tpu.memory_space<hbm>>
      %dma_start3A_32 = arith.constant 0 : i32
      %dma_start3A_33 = tpu.memref_slice %arg6[%mul3A_2, %dma_start3A_32] : memref<2048x128xf32, #tpu.memory_space<vmem_shared>> -> memref<128x128xf32, #tpu.memory_space<vmem_shared>>
      tpu.enqueue_dma source(%dma_start3A_33 : memref<128x128xf32, #tpu.memory_space<vmem_shared>>) target(%dma_start3A_31 : memref<128x128xf32, #tpu.memory_space<hbm>>) target_semaphore(%run_scoped3A : memref<!tpu.dma_semaphore, #tpu.memory_space<semaphore_mem>>)
      %dma_wait3A_34 = arith.constant 0 : i32
      %dma_wait3A_35 = tpu.memref_slice %arg5[%arg0, %mul3A_2, %dma_wait3A_34] : memref<2x2048x128xf32, #tpu.memory_space<hbm>> -> memref<1x128x128xf32, #tpu.memory_space<hbm>>
      %dma_wait3A_36 = tpu.memref_squeeze %dma_wait3A_35 : memref<1x128x128xf32, #tpu.memory_space<hbm>> -> memref<128x128xf32, #tpu.memory_space<hbm>>
      %dma_wait3A_37 = arith.constant 0 : i32
      %dma_wait3A_38 = tpu.memref_slice %arg6[%mul3A_2, %dma_wait3A_37] : memref<2048x128xf32, #tpu.memory_space<vmem_shared>> -> memref<128x128xf32, #tpu.memory_space<vmem_shared>>
      tpu.wait_dma2 semaphore(%run_scoped3A : memref<!tpu.dma_semaphore, #tpu.memory_space<semaphore_mem>>) src(%dma_wait3A_38 : memref<128x128xf32, #tpu.memory_space<vmem_shared>>) dst(%dma_wait3A_36 : memref<128x128xf32, #tpu.memory_space<hbm>>)
      tpu.yield
    }) : () -> ()
    return
  }
}

module attributes {stable_mosaic.version = 14 : i64} {
  func.func @_tc_finish_body(%arg0: memref<2x2048x128xf32, #tpu.memory_space<vmem>>, %arg1: memref<2048x1xf32, #tpu.memory_space<vmem>>, %arg2: memref<128x128xf32, #tpu.memory_space<vmem>>, %arg3: memref<1x128xf32, #tpu.memory_space<vmem>>, %arg4: memref<2048x128xf32, #tpu.memory_space<vmem>>) attributes {dimension_semantics = [], scalar_prefetch = 0 : i64, scratch_operands = 0 : i64, tpu.core_type = #tpu.core_type<tc>} {
    %get3A = arith.constant 0 : index
    %get3A_0 = arith.constant 0 : index
    %get3A_1 = arith.constant 0 : index
    %get3A_2 = vector.load %arg0[%get3A, %get3A_0, %get3A_1] : memref<2x2048x128xf32, #tpu.memory_space<vmem>>, vector<1x2048x128xf32>
    %get3A_3 = vector.shape_cast %get3A_2 : vector<1x2048x128xf32> to vector<2048x128xf32>
    %get3A_4 = arith.constant 1 : index
    %get3A_5 = arith.constant 0 : index
    %get3A_6 = arith.constant 0 : index
    %get3A_7 = vector.load %arg0[%get3A_4, %get3A_5, %get3A_6] : memref<2x2048x128xf32, #tpu.memory_space<vmem>>, vector<1x2048x128xf32>
    %get3A_8 = vector.shape_cast %get3A_7 : vector<1x2048x128xf32> to vector<2048x128xf32>
    %add3A = arith.addf %get3A_3, %get3A_8 : vector<2048x128xf32>
    %get3A_9 = arith.constant 0 : index
    %get3A_10 = arith.constant 0 : index
    %get3A_11 = vector.load %arg1[%get3A_9, %get3A_10] : memref<2048x1xf32, #tpu.memory_space<vmem>>, vector<2048x1xf32>
    %max3A = arith.constant 1.000000e+00 : f32
    %max3A_12 = vector.broadcast %max3A : f32 to vector<2048x1xf32>
    %max3A_13 = arith.maximumf %get3A_11, %max3A_12 : vector<2048x1xf32>
    %div3A = vector.broadcast %max3A_13 : vector<2048x1xf32> to vector<2048x128xf32>
    %div3A_14 = arith.divf %add3A, %div3A : vector<2048x128xf32>
    %get3A_15 = arith.constant 0 : index
    %get3A_16 = arith.constant 0 : index
    %get3A_17 = vector.load %arg2[%get3A_15, %get3A_16] : memref<128x128xf32, #tpu.memory_space<vmem>>, vector<128x128xf32>
    %dot_general3A = arith.constant dense<0.000000e+00> : vector<2048x128xf32>
    %dot_general3A_18 = tpu.matmul %div3A_14, %get3A_17, %dot_general3A {dimension_numbers = #tpu.dot_dimension_numbers<[1], [0], [0], [1], [0, 0, 1, 1], [], []>, transpose_lhs_hint = false} : vector<2048x128xf32>, vector<128x128xf32>, vector<2048x128xf32> -> vector<2048x128xf32>
    %get3A_19 = arith.constant 0 : index
    %get3A_20 = arith.constant 0 : index
    %get3A_21 = vector.load %arg3[%get3A_19, %get3A_20] : memref<1x128xf32, #tpu.memory_space<vmem>>, vector<1x128xf32>
    %add3A_22 = vector.broadcast %get3A_21 : vector<1x128xf32> to vector<2048x128xf32>
    %add3A_23 = arith.addf %dot_general3A_18, %add3A_22 : vector<2048x128xf32>
    %swap3A = arith.constant 0 : index
    %swap3A_24 = arith.constant 0 : index
    %swap3A_25 = vector.load %arg4[%swap3A, %swap3A_24] : memref<2048x128xf32, #tpu.memory_space<vmem>>, vector<2048x128xf32>
    tpu.vector_store %arg4[%swap3A, %swap3A_24], %add3A_23 {strides = array<i32>} : memref<2048x128xf32, #tpu.memory_space<vmem>>, vector<2048x128xf32>,
    return
  }
}

module attributes {stable_mosaic.version = 14 : i64} {
  func.func @_tc_hist_body(%arg0: i32, %arg1: memref<1x1x12544xi32, #tpu.memory_space<vmem>>, %arg2: memref<16x128xf32, #tpu.memory_space<vmem>>) attributes {dimension_semantics = [#tpu.dimension_semantics<arbitrary>], iteration_bounds = array<i64: 8>, scalar_prefetch = 0 : i64, scratch_operands = 0 : i64, tpu.core_type = #tpu.core_type<tc>, window_params = [{transform_indices = @transform_0, window_bounds = array<i64: 1, 1, 12544>}, {pipeline_mode = #tpu.pipeline_mode<synchronous>, transform_indices = @transform_1, window_bounds = array<i64: 16, 128>}]} {
    %get3A = arith.constant 0 : index
    %get3A_0 = arith.constant 0 : index
    %get3A_1 = arith.constant 0 : index
    %get3A_2 = vector.load %arg1[%get3A, %get3A_0, %get3A_1] : memref<1x1x12544xi32, #tpu.memory_space<vmem>>, vector<1x1x12544xi32>
    %get3A_3 = vector.shape_cast %get3A_2 : vector<1x1x12544xi32> to vector<12544xi32>
    %shift_right_arithmetic3A = arith.constant 7 : i32
    %shift_right_arithmetic3A_4 = vector.broadcast %shift_right_arithmetic3A : i32 to vector<12544xi32>
    %shift_right_arithmetic3A_5 = arith.shrsi %get3A_3, %shift_right_arithmetic3A_4 : vector<12544xi32>
    %and3A = arith.constant 127 : i32
    %and3A_6 = vector.broadcast %and3A : i32 to vector<12544xi32>
    %and3A_7 = arith.andi %get3A_3, %and3A_6 : vector<12544xi32>
    %broadcast_in_dim3A = vector.shape_cast %shift_right_arithmetic3A_5 : vector<12544xi32> to vector<12544x1xi32>
    %iota3A = tpu.iota {dimensions = array<i32: 1>} : vector<12544x16xi32>
    %eq3A = vector.broadcast %broadcast_in_dim3A : vector<12544x1xi32> to vector<12544x16xi32>
    %eq3A_8 = arith.cmpi eq, %eq3A, %iota3A : vector<12544x16xi32>
    %broadcast_in_dim3A_9 = vector.shape_cast %and3A_7 : vector<12544xi32> to vector<12544x1xi32>
    %iota3A_10 = tpu.iota {dimensions = array<i32: 1>} : vector<12544x128xi32>
    %eq3A_11 = vector.broadcast %broadcast_in_dim3A_9 : vector<12544x1xi32> to vector<12544x128xi32>
    %eq3A_12 = arith.cmpi eq, %eq3A_11, %iota3A_10 : vector<12544x128xi32>
    %convert_element_type3A = arith.extui %eq3A_8 : vector<12544x16xi1> to vector<12544x16xi32>
    %convert_element_type3A_13 = arith.sitofp %convert_element_type3A : vector<12544x16xi32> to vector<12544x16xf32>
    %convert_element_type3A_14 = arith.truncf %convert_element_type3A_13 : vector<12544x16xf32> to vector<12544x16xbf16>
    %convert_element_type3A_15 = arith.extui %eq3A_12 : vector<12544x128xi1> to vector<12544x128xi32>
    %convert_element_type3A_16 = arith.sitofp %convert_element_type3A_15 : vector<12544x128xi32> to vector<12544x128xf32>
    %convert_element_type3A_17 = arith.truncf %convert_element_type3A_16 : vector<12544x128xf32> to vector<12544x128xbf16>
    %dot_general3A = arith.constant dense<0.000000e+00> : vector<16x128xf32>
    %dot_general3A_18 = tpu.matmul %convert_element_type3A_14, %convert_element_type3A_17, %dot_general3A {dimension_numbers = #tpu.dot_dimension_numbers<[0], [0], [1], [1], [0, 1, 1, 1], [], []>, transpose_lhs_hint = false} : vector<12544x16xbf16>, vector<12544x128xbf16>, vector<16x128xf32> -> vector<16x128xf32>
    %eq3A_19 = arith.constant 0 : i32
    %eq3A_20 = arith.cmpi eq, %arg0, %eq3A_19 : i32
    %convert_element_type3A_21 = arith.extui %eq3A_20 : i1 to i32
    %cond3A = arith.constant 0 : i32
    %cond3A_22 = arith.cmpi ne, %convert_element_type3A_21, %cond3A : i32
    scf.if %cond3A_22 {
      %swap3A = arith.constant 0 : index
      %swap3A_27 = arith.constant 0 : index
      %swap3A_28 = vector.load %arg2[%swap3A, %swap3A_27] : memref<16x128xf32, #tpu.memory_space<vmem>>, vector<16x128xf32>
      tpu.vector_store %arg2[%swap3A, %swap3A_27], %dot_general3A_18 {strides = array<i32>} : memref<16x128xf32, #tpu.memory_space<vmem>>, vector<16x128xf32>,
    } else {
    }
    %gt3A = arith.constant 0 : i32
    %gt3A_23 = arith.cmpi sgt, %arg0, %gt3A : i32
    %convert_element_type3A_24 = arith.extui %gt3A_23 : i1 to i32
    %cond3A_25 = arith.constant 0 : i32
    %cond3A_26 = arith.cmpi ne, %convert_element_type3A_24, %cond3A_25 : i32
    scf.if %cond3A_26 {
      %get3A_27 = arith.constant 0 : index
      %get3A_28 = arith.constant 0 : index
      %get3A_29 = vector.load %arg2[%get3A_27, %get3A_28] : memref<16x128xf32, #tpu.memory_space<vmem>>, vector<16x128xf32>
      %add3A = arith.addf %get3A_29, %dot_general3A_18 : vector<16x128xf32>
      %swap3A = arith.constant 0 : index
      %swap3A_30 = arith.constant 0 : index
      %swap3A_31 = vector.load %arg2[%swap3A, %swap3A_30] : memref<16x128xf32, #tpu.memory_space<vmem>>, vector<16x128xf32>
      tpu.vector_store %arg2[%swap3A, %swap3A_30], %add3A {strides = array<i32>} : memref<16x128xf32, #tpu.memory_space<vmem>>, vector<16x128xf32>,
    } else {
    }
    return
  }
  func.func @transform_0(%arg0: i32) -> (i32, i32, i32) {
    %c0_i32 = arith.constant 0 : i32
    %c0_i32_0 = arith.constant 0 : i32
    %c0_i32_1 = arith.constant 0 : i32
    return %arg0, %c0_i32, %c0_i32_0 : i32, i32, i32
  }
  func.func @transform_1(%arg0: i32) -> (i32, i32) {
    %c0_i32 = arith.constant 0 : i32
    %c0_i32_0 = arith.constant 0 : i32
    %c0_i32_1 = arith.constant 0 : i32
    return %c0_i32, %c0_i32_0 : i32, i32
  }
}

</mosaic_0001>

<sc_bundles>
// kernel: kernel.5.cloned.1.call-start
scs
__scs_entry_jumppad:
0x0: {  	(pc) =	sbr.rel $0x88, $3  }
0x1: {  	(tag) =	ssettag $0x0;
	lr =	simm.s32 $0x1  }
0x2: {  	[smem:$0x3F9D] =	sst lr;
	_ =	strace $0xD0000000  }
0x3: {  	_ = 	snop  }
0x4: {  	_ = 	snop  }
0x5: {  	_ = 	snop  }
0x6: {  	_ = 	snop  }
0x7: {  	_ = 	snop  }
__scs_overlays_trampoline_lowered:
0x8: {  	[smem:$0x3FAC] =	sst s0  }
0x9: {  	[smem:$0x3FAD] =	sst s1  }
0xa: {  	[smem:$0x3FAE] =	sst s2  }
0xb: {  	[smem:$0x3FAF] =	sst s3  }
0xc: {  	[smem:$0x3FB0] =	sst s4  }
0xd: {  	[smem:$0x3FB1] =	sst s5  }
0xe: {  	[smem:$0x3FB2] =	sst s6  }
0xf: {  	[smem:$0x3FB3] =	sst s7  }
0x10: {  	[smem:$0x3FB4] =	sst s8  }
0x11: {  	[smem:$0x3FB5] =	sst s9;
	s0 =	simm.s32 @!p0 $0x0  }
0x12: {  	s1 =	sld [smem:$0x3F9B];
	s0 =	simm.s32 @p0 $0x1  }
0x13: {  	[smem:$0x3FB6] =	sst s0;
	s0 =	simm.s32 @!p1 $0x0  }
0x14: {  	s2 =	sld [smem:$0x3F9A];
	s0 =	simm.s32 @p1 $0x1  }
0x15: {  	[smem:$0x3FB7] =	sst s0;
	s0 =	simm.s32 @!p2 $0x0  }
0x16: {  	s3 =	sld [smem:$0x3FDB];
	s0 =	simm.s32 @p2 $0x1  }
0x17: {  	s4 =	simm.s32 $0x1BF5;
	[smem:$0x3FB9] =	sst s0  }
0x18: {  	s0 =	sld [smem:$0x3F9C];
	_ =	swait.ge [sflag:s4], $0x0  }
0x19: {  	s7 =	sld [smem:$0x3F9D]  }
0x1a: {  	s8 =	sadd.s32 $0xFFFFE003, lr  }
0x1b: {  	s9 =	sadd.s32 $0xFFFFFEF7, lr;
	s5 =	simm.s32 $0xFFFFFFFF;
	p2 =	slt.u32 s8, $0xFFFFF086  }
0x1c: {  	p1 =	slt.u32 s9, $0xF7A;
	s5 =	simm.s32 @!p2 $0x0  }
0x1d: {  	s5 =	simm.s32 @p1 $0x1;
	p0 =	seq.s32 s7, s2  }
0x1e: {  	s7 =	smul.u32 @!p0 $0xF7A, s2;
	p2 =	seq.s32 @!p0 s5, $0x0  }
0x1f: {  	s9 =	smul.u32 $0xF7A, s1;
	s8 =	simm.s32 @!p0 $0x1BF5;
	p2 =	por !p2, p0  }
0x20: {  	[sflag:s8] =	ssyncset.s32 @!p0 $0xFFFFF086;
	s6 =	sadd.s32 @!p0 s3, s7;
	s7 =	simm.s32 @!p0 $0x108  }
0x21: {  	s3 =	sadd.s32 s3, s9;
	s6 =	sadd.s32 @!p0 $0x88, s6;
	s7 =	simm.s32 @p2 $0x1082  }
0x22: {  	[simem:s7], [sflag:s8] =	dma.local @!p0 [hbm:s6], $0xF7A  }
0x23: {  	s9 =	sor.u32 $0xD0000000, s2;
	s6 =	simm.s32 $0x108;
	_ =	swait.ge @!p0 [sflag:s8], $0x0  }
0x24: {  	s3 =	sadd.s32 $0x88, s3;
	s6 =	simm.s32 @!p1 $0x1082;
	[sflag:s4] =	ssyncset.s32 $0xFFFFF086  }
0x25: {  	[simem:s6], [sflag:s4] =	dma.local [hbm:s3], $0xF7A  }
0x26: {  	[smem:$0x3F9D] =	sst s1;
	(tag) =	ssettag s2;
	_ =	strace s9  }
0x27: {  	s1 =	sld [smem:$0x3FAD]  }
0x28: {  	s2 =	sld [smem:$0x3FAE]  }
0x29: {  	s4 =	sld [smem:$0x3FB0]  }
0x2a: {  	p0 =	seq.s32 s5, $0x0;
	s5 =	sld [smem:$0x3FB1]  }
0x2b: {  	s6 =	sld [smem:$0x3FB2]  }
0x2c: {  	s7 =	sld [smem:$0x3FB3]  }
0x2d: {  	s3 =	simm.s32 $0x108;
	s8 =	sld [smem:$0x3FB4]  }
0x2e: {  	s3 =	simm.s32 @!p0 $0x1082;
	s9 =	sld [smem:$0x3FB5]  }
0x2f: {  	lr =	sadd.s32 s0, s3;
	s0 =	sld [smem:$0x3FAC]  }
0x30: {  	s3 =	sld [smem:$0x3FAF]  }
0x31: {  	[smem:$0x3FB8] =	sst s10  }
0x32: {  	s10 =	sld [smem:$0x3FB6];
	_ =	sdelay $0x3  }
0x33: {  	p0 =	seq.s32 s10, $0x1;
	s10 =	sld [smem:$0x3FB8];
	_ =	sdelay $0x3  }
0x34: {  	[smem:$0x3FB8] =	sst s10  }
0x35: {  	s10 =	sld [smem:$0x3FB7];
	_ =	sdelay $0x3  }
0x36: {  	p1 =	seq.s32 s10, $0x1;
	s10 =	sld [smem:$0x3FB8];
	_ =	sdelay $0x3  }
0x37: {  	[smem:$0x3FB8] =	sst s10  }
0x38: {  	s10 =	sld [smem:$0x3FB9]  }
0x39: {  	_ = 	snop;
	(pc) =	sbr.ind lr, $3  }
0x3a: {  	_ = 	snop  }
0x3b: {  	_ = 	snop  }
0x3c: {  	p2 =	seq.s32 s10, $0x1;
	s10 =	sld [smem:$0x3FB8]  }
0x3d: {  	_ =	shalt  }
0x3e: {  	_ =	shalt  }
0x3f: {  	_ =	shalt  }
0x40: {  	_ =	shalt  }
0x41: {  	_ =	shalt  }
0x42: {  	_ =	shalt  }
0x43: {  	_ =	shalt  }
0x44: {  	_ =	shalt  }
0x45: {  	_ =	shalt  }
0x46: {  	_ =	shalt  }
0x47: {  	_ =	shalt  }
0x48: {  	_ =	shalt  }
0x49: {  	_ =	shalt  }
0x4a: {  	_ =	shalt  }
0x4b: {  	_ =	shalt  }
0x4c: {  	_ =	shalt  }
0x4d: {  	_ =	shalt  }
0x4e: {  	_ =	shalt  }
0x4f: {  	_ =	shalt  }
0x50: {  	_ =	shalt  }
0x51: {  	_ =	shalt  }
0x52: {  	_ =	shalt  }
0x53: {  	_ =	shalt  }
0x54: {  	_ =	shalt  }
0x55: {  	_ =	shalt  }
0x56: {  	_ =	shalt  }
0x57: {  	_ =	shalt  }
0x58: {  	_ =	shalt  }
0x59: {  	_ =	shalt  }
0x5a: {  	_ =	shalt  }
0x5b: {  	_ =	shalt  }
0x5c: {  	_ =	shalt  }
0x5d: {  	_ =	shalt  }
0x5e: {  	_ =	shalt  }
0x5f: {  	_ =	shalt  }
0x60: {  	_ =	shalt  }
0x61: {  	_ =	shalt  }
0x62: {  	_ =	shalt  }
0x63: {  	_ =	shalt  }
0x64: {  	_ =	shalt  }
0x65: {  	_ =	shalt  }
0x66: {  	_ =	shalt  }
0x67: {  	_ =	shalt  }
0x68: {  	_ =	shalt  }
0x69: {  	_ =	shalt  }
0x6a: {  	_ =	shalt  }
0x6b: {  	_ =	shalt  }
0x6c: {  	_ =	shalt  }
0x6d: {  	_ =	shalt  }
0x6e: {  	_ =	shalt  }
0x6f: {  	_ =	shalt  }
0x70: {  	_ =	shalt  }
0x71: {  	_ =	shalt  }
0x72: {  	_ =	shalt  }
0x73: {  	_ =	shalt  }
0x74: {  	_ =	shalt  }
0x75: {  	_ =	shalt  }
0x76: {  	_ =	shalt  }
0x77: {  	_ =	shalt  }
0x78: {  	_ =	shalt  }
0x79: {  	_ =	shalt  }
0x7a: {  	_ =	shalt  }
0x7b: {  	_ =	shalt  }
0x7c: {  	_ =	shalt  }
0x7d: {  	_ =	shalt  }
0x7e: {  	_ =	shalt  }
0x7f: {  	_ =	shalt  }
0x80: {  	_ =	shalt  }
0x81: {  	_ =	shalt  }
0x82: {  	_ =	shalt  }
0x83: {  	_ =	shalt  }
0x84: {  	_ =	shalt  }
0x85: {  	_ =	shalt  }
0x86: {  	_ =	shalt  }
0x87: {  	_ =	shalt  }
.Lfunc_end0:
.L_simem_size_0:
called_computation_lowered:
.L_overlay_start_0:
0x88: {  	s2 =	sld [smem:$0x3FD9]  }
0x89: {  	s3 =	sld [smem:$0x3FFE];
	_ =	sdelay $0x1  }
0x8a: {  	s1 =	srdreg.scid  }
0x8b: {  	s0 =	sand.u32 $0x1, s1  }
0x8c: {  	s17 =	sshll.u32 s0, $0xA;
	s2 =	sadd.s32 s3, s2  }
0x8d: {  	s2 =	sadd.s32 s2, s17  }
0x8e: {  	[smem:$0x3FC4] =	sst s2  }
0x8f: {  	_ = 	snop  }
0x90: {  	s2 =	sld [smem:$0x3FC9]  }
0x91: {  	s18 =	sld [smem:$0x3FC8]  }
0x92: {  	s4 =	sld [smem:$0x3FD0];
	(tm) =	ssettm $0x1  }
0x93: {  	s5 =	sld [smem:$0x3FFB];
	_ =	sdelay $0x3  }
0x94: {  	_ =	strace s5  }
0x95: {  	s5 =	sld [smem:$0x3FFC];
	_ =	sdelay $0x3  }
0x96: {  	_ =	strace s5  }
0x97: {  	s5 =	sld [smem:$0x3FFD];
	_ =	sdelay $0x3  }
0x98: {  	_ =	strace s5  }
0x99: {  	_ =	strace $0x8FFFFFFF  }
0x9a: {  	s19 =	sld [smem:$0x3FDB];
	_ =	sdelay $0x1  }
0x9b: {  	s6 =	simm.s32 $_scs_section_size  }
0x9c: {  	s7 =	simm.s32 $_size__tile_overlayer_lowered;
	s8 =	simm.s32 $_tile_overlayer_lowered  }
0x9d: {  	s22 =	simm.s32 $0x1BFF;
	s21 =	sshll.u32 s8, $0x1;
	s5 =	sadd.s32 s6, s19  }
0x9e: {  	s9 =	simm.s32 $0x0;
	s20 =	sshll.u32 s7, $0x1;
	s7 =	sadd.s32 s21, s5  }
0x9f: {  	[timem:s9], [sflag:s22] =	dma.local [hbm:s7], s20  }
0xa0: {  	_ =	swait.ge [sflag:s22], s20  }
0xa1: {  	s6 =	ssub.s32 $0x0, s20;
	[sflag:s22] =	ssyncset.done $0x0  }
0xa2: {  	[sflag:s22] =	ssyncadd.s32 s6;
	_ =	sdelay $0x1  }
0xa3: {  	s23 =	simm.s32 $0x1B8B  }
0xa4: {  	_ =	swait.ge [sflag:s23], $0x1  }
0xa5: {  	[sflag:s23] =	ssyncset.done $0x0  }
0xa6: {  	s25 =	simm.s32 $0x1B8E;
	s24 =	sld [smem:$0x3FFE];
	[sflag:s23] =	ssyncadd.s32 $0xFFFFFFFF  }
0xa7: {  	s26 =	simm.s32 $execute0_lowered;
	[smem:$0x3FD2] =	sst s25  }
0xa8: {  	s7 =	sshll.u32 s26, $0x1;
	_ =	strace $0x80000046;
	[dreg:$0x1] =	wrdreg $0xFFFFFFFF  }
0xa9: {  	s28 =	simm.s32 $_size_execute0_lowered;
	s5 =	sadd.s32 s5, s7;
	[dreg:$0x0] =	wrdreg $0x0  }
0xaa: {  	s7 =	sshll.u32 s28, $0x1;
	[dreg:$0x2] =	wrdreg s5  }
0xab: {  	[dreg:$0x3] =	wrdreg s7  }
0xac: {  	[dreg:$0x4] =	wrdreg $0xC0  }
0xad: {  	_ =	task [dreg:s9], $0x5FFFF  }
0xae: {  	[dreg:$0x1] =	wrdreg $0xFFFFFFFF  }
0xaf: {  	[dreg:$0x0] =	wrdreg $0x60  }
0xb0: {  	[dreg:$0x2] =	wrdreg s2  }
0xb1: {  	[dreg:$0x3] =	wrdreg s18  }
0xb2: {  	[dreg:$0x4] =	wrdreg s4  }
0xb3: {  	[dreg:$0x5] =	wrdreg s24  }
0xb4: {  	[dreg:$0x6] =	wrdreg $0x0  }
0xb5: {  	[dreg:$0x7] =	wrdreg $0x9  }
0xb6: {  	_ =	task.clear_ibuf [dreg:s9], $0x8FFFF;
	_ =	strace $0x90000046  }
0xb7: {  	s29 =	simm.s32 $0x9;
	_ =	strace $0x80000048  }
0xb8: {  	_ =	swait.ge [sflag:s29], $0x1  }
0xb9: {  	[sflag:s29] =	ssyncadd.s32 $0xFFFFFFFF  }
0xba: {  	_ =	strace $0x90000048  }
0xbb: {  	_ =	sfence  }
0xbc: {  	s30 =	sld [smem:$0x0];
	_ =	sdelay $0x2  }
0xbd: {  	s31 =	sshll.u32 s1, $0xD;
	s1 =	sshrl.u32 s1, $0x2  }
0xbe: {  	s3 =	sand.u32 $0x4000, s31;
	s1 =	sadd.s32 s1, s30  }
0xbf: {  	s0 =	sor.u32 s3, s0;
	s1 =	sshll.u32 s1, $0x11  }
0xc0: {  	s0 =	sor.u32 s1, s0  }
0xc1: {  	s0 =	sadd.s32 $0x8F2B, s0  }
0xc2: {  	[sflag:s0] =	ssyncadd.remote.s32 $0x1  }
0xc3: {  	_ =	sfence.sel $0xFFFF  }
0xc4: {  	[dreg:$0x0] =	wrdreg $0xFFFFFFFF;
	(pc) =	sbr.abs _section_cstart, $3  }
0xc5: {  	[dreg:$0x1] =	wrdreg $0xFFFFFFFF  }
0xc6: {  	_ =	task.clear_ibuf [dreg:s9], $0x2FFFF;
	_ =	strace $0x9FFFFFFF  }
0xc7: {  	(tm) =	ssettm $0x7FFFFFFF  }
tec
execute0_lowered:
.L_overlay_start_1:
0x0: {  	(tag) =	ssettag $0x1  }
0x1: {  	s0 =	rddreg [dreg:$0x0]  }
0x2: {  	s15 =	rddreg [dreg:$0x1]  }
0x3: {  	s4 =	rddreg [dreg:$0x2]  }
0x4: {  	s5 =	rddreg [dreg:$0x3]  }
0x5: {  	s1 =	rddreg [dreg:$0x4];
	s3 =	simm.s32 $0x0  }
0x6: {  	s6 =	srdreg.scid;
	s2 =	stileid.u32;
	s28 =	simm.s32 $0x0  }
0x7: {  	[smem:$0x7FF] =	sst s3;
	s12 =	sand.u32 $0x1, s6;
	s22 =	sshll.u32 s2, $0xB  }
0x8: {  	s8 =	sshll.u32 s2, $0x1;
	s24 =	sshll.u32 s2, $0xE;
	s17 =	smul.u32 $0x1800, s2  }
0x9: {  	s29 =	sshll.u32 s2, $0x6;
	s9 =	sadd.s32 $0x186800, s0;
	s30 =	smul.u32 $0x18000, s2  }
0xa: {  	_ =	strace $0x80000047;
	s7 =	ssub.s32 $0x2, s12;
	s13 =	sadd.s32 s22, s5  }
0xb: {  	s25 =	sor.u32 s12, s8;
	s16 =	sadd.s32 s24, s1;
	s19 =	smul.u32 $0xC00, s12  }
0xc: {  	s4 =	sadd.s32 s4, s22;
	s5 =	sor.u32 $0x1C05, s29;
	s21 =	smul.u32 $0xC000, s12  }
0xd: {  	s20 =	sshll.u32 s12, $0xF;
	s22 =	simm.s32 $0x80;
	s26 =	smul.u32 $0x180, s25  }
0xe: {  	s24 =	simm.s32 $0x8100;
	s23 =	sshrl.u32 s7, $0x1;
	s8 =	smul.u32 $0xC000, s25  }
0xf: {  	s10 =	sshll.u32 s25, $0x7;
	s13 =	sadd.s32 s20, s13;
	s16 =	sshrl.u32 s16, $0x3  }
0x10: {  	s20 =	simm.s32 $0x3;
	p0 =	sgt.u32 s25, $0xC;
	s14 =	ssub.s32 s7, s23  }
0x11: {  	s10 =	sor.u32 $0x18000, s10;
	s31 =	sadd.s32 s19, s17;
	s12 =	sadd.s32 $0xC00, s13  }
0x12: {  	s19 =	simm.s32 $0x4100;
	s23 =	simm.s32 $0x4080;
	p1 =	sne.s32 @p0 s25, $0x1F  }
0x13: {  	s25 =	simm.s32 $0x4;
	s6 =	sadd.s32 s15, s26;
	s7 =	sadd.s32 s0, s8  }
0x14: {  	s8 =	sadd.s32 $0x30D0, s15;
	s11 =	sshrl.u32 s10, $0x3;
	s18 =	sshll.u32 s10, $0x4  }
.Ltmp0:
0x15: {  	s17 =	sor.u32 $0x80, s31;
	s13 =	smax.u32 s14, $0x1;
	(pc) =	sbr.rel .LBB2_1-.Ltmp0, $4  }
0x16: {  	p1 =	por p1, !p0;
	s26 =	simm.s32 $0x1;
	s10 =	sadd.s32 s15, s11  }
0x17: {  	s11 =	sadd.s32 s0, s18;
	s0 =	sadd.s32 s30, s0;
	s17 =	sshrl.u32 s17, $0x3  }
0x18: {  	s18 =	simm.s32 $0x4000;
	s0 =	sadd.s32 s21, s0;
	s15 =	sadd.s32 s17, s15  }
0x19: {  	s17 =	simm.s32 $0x5;
	s21 =	simm.s32 $0x2;
	s14 =	sadd.s32 $0x800, s0  }
.LBB2_10:
0x1a: {  	_ =	swait.ge [sflag:s21], $0x80  }
0x1b: {  	[sflag:s21] =	ssyncset.done $0x0  }
0x1c: {  	[sflag:s21] =	ssyncadd.s32 $0xFFFFFF80  }
0x1d: {  	_ =	swait.ge [sflag:s21], $0x4000  }
0x1e: {  	[sflag:s21] =	ssyncset.done $0x0  }
0x1f: {  	[sflag:s21] =	ssyncadd.s32 $0xFFFFC000  }
0x20: {  	[spmem:s1] =	stream.indirect.scatter.add.f32 [tilespmem:s24], [sflag:$0x4], $0x80, s23, s22, $0xb8;
	[tilespmem:$0xC180] =	vst v63  }
0x21: {  	_ =	swait.ge [sflag:s20], $0x4000  }
0x22: {  	[sflag:s20] =	ssyncset.done $0x0  }
0x23: {  	[sflag:s20] =	ssyncadd.s32 $0xFFFFC000  }
0x24: {  	_ =	swait.ge [sflag:s25], $0x4000  }
0x25: {  	s0 =	simm.s32 @!p1 $0x0;
	[sflag:s25] =	ssyncset.done $0x0  }
0x26: {  	s29 =	simm.s32 @!p1 $0xC100;
	s30 =	simm.s32 @!p1 $0x5;
	[sflag:s25] =	ssyncadd.s32 $0xFFFFC000  }
0x27: {  	[tilespmem:s29], [sflag:$0x5] =	stream.linear.gather @!p1 [hbm4b:s8+s0], $0x20, $0x38;
	[tilespmem:$0xC180] =	vst v63  }
0x28: {  	_ =	swait.ge @!p1 [sflag:s30], $0x20  }
0x29: {  	[sflag:s30] =	ssyncset.done @!p1 $0x0  }
0x2a: {  	s31 =	simm.s32 @!p1 $0x4100;
	[sflag:s30] =	ssyncadd.s32 @!p1 $0xFFFFFFE0  }
0x2b: {  	[tilespmem:s31], [sflag:$0x5] =	stream.linear.gather @!p1 [hbm4b:s9+s0], $0x1000, $0x38;
	[tilespmem:$0xC180] =	vst v63  }
0x2c: {  	_ =	swait.ge @!p1 [sflag:s30], $0x1000  }
0x2d: {  	[sflag:s30] =	ssyncset.done @!p1 $0x0  }
0x2e: {  	s0 =	simm.s32 @!p1 $0x20;
	[sflag:s30] =	ssyncadd.s32 @!p1 $0xFFFFF000  }
0x2f: {  	[spmem:s1] =	stream.indirect.scatter.add.f32 @!p1 [tilespmem:s31], [sflag:$0x5], $0x80, s29, s0, $0xb8;
	[tilespmem:$0xC180] =	vst v63  }
0x30: {  	_ =	swait.ge @!p1 [sflag:s30], $0x1000  }
0x31: {  	[sflag:s30] =	ssyncset.done @!p1 $0x0  }
0x32: {  	s0 =	simm.s32 @!p0 $0x0;
	s29 =	simm.s32 @!p0 $0x4000;
	[sflag:s30] =	ssyncadd.s32 @!p1 $0xFFFFF000  }
0x33: {  	[tilespmem:s29], [sflag:$0x1] =	stream.linear.gather @!p0 [hbm4b:s10+s0], $0x80, $0x38;
	[tilespmem:$0xC180] =	vst v63  }
0x34: {  	s30 =	simm.s32 @!p0 $0x4100  }
0x35: {  	[tilespmem:s30], [sflag:$0x1] =	stream.linear.gather @!p0 [hbm4b:s11+s0], $0x4000, $0x38;
	[tilespmem:$0xC180] =	vst v63  }
0x36: {  	s0 =	simm.s32 @!p0 $0x1  }
0x37: {  	_ =	swait.ge @!p0 [sflag:s0], $0x80  }
0x38: {  	[sflag:s0] =	ssyncset.done @!p0 $0x0  }
0x39: {  	[sflag:s0] =	ssyncadd.s32 @!p0 $0xFFFFFF80  }
0x3a: {  	_ =	swait.ge @!p0 [sflag:s0], $0x4000  }
0x3b: {  	[sflag:s0] =	ssyncset.done @!p0 $0x0  }
0x3c: {  	[sflag:s0] =	ssyncadd.s32 @!p0 $0xFFFFC000;
	s0 =	simm.s32 @!p0 $0x80  }
0x3d: {  	[spmem:s1] =	stream.indirect.scatter.add.f32 @!p0 [tilespmem:s30], [sflag:$0x3], $0x80, s29, s0, $0xb8;
	[tilespmem:$0xC180] =	vst v63  }
0x3e: {  	s0 =	simm.s32 @!p0 $0x3  }
0x3f: {  	_ =	swait.ge @!p0 [sflag:s0], $0x4000  }
0x40: {  	s28 =	sadd.s32 $0x1, s28;
	[sflag:s0] =	ssyncset.done @!p0 $0x0  }
0x41: {  	p2 =	sne.s32 s28, s13;
	[sflag:s0] =	ssyncadd.s32 @!p0 $0xFFFFC000  }
.Ltmp1:
0x42: {  	[bflag:$0x0] =	sbarrier.arrive $0xFFFF;
	(pc) =	sbr.rel @!p2 .LBB2_11-.Ltmp1, $4  }
0x43: {  	[hbm:s12], [sflag:s5] =	dma.local [spmem:s16], $0x800  }
0x44: {  	_ =	swait.ge [sflag:s17], $0x800  }
0x45: {  	[sflag:s17] =	ssyncset.done $0x0  }
0x46: {  	[sflag:s17] =	ssyncadd.s32 $0xFFFFF800  }
.LBB2_1:
0x47: {  	[spmem:s16], [sflag:s5] =	dma.local [hbm:s4], $0x800  }
0x48: {  	_ =	swait.ge [sflag:s17], $0x800  }
0x49: {  	[sflag:s17] =	ssyncset.done $0x0  }
.Ltmp2:
0x4a: {  	[sflag:s17] =	ssyncadd.s32 $0xFFFFF800;
	(pc) =	sbr.rel .LBB2_2-.Ltmp2, $4  }
0x4b: {  	[bflag:$0x0] =	sbarrier.arrive $0xFFFF  }
0x4c: {  	[tilespmem:s18], [sflag:$0x1] =	stream.linear.gather [hbm4b:s6+s3], $0x80, $0x38;
	[tilespmem:$0xC180] =	vst v63  }
0x4d: {  	s29 =	smov.u32 s15;
	s30 =	smov.u32 s14;
	s31 =	simm.s32 $0x0  }
0x4e: {  	[tilespmem:s19], [sflag:$0x1] =	stream.linear.gather [hbm4b:s7+s3], $0x4000, $0x38;
	[tilespmem:$0xC180] =	vst v63  }
.LBB2_8:
0x4f: {  	_ =	swait.ge [sflag:s20], $0x4000  }
0x50: {  	[sflag:s20] =	ssyncset.done $0x0  }
0x51: {  	[sflag:s20] =	ssyncadd.s32 $0xFFFFC000  }
0x52: {  	[tilespmem:s18], [sflag:$0x1] =	stream.linear.gather [hbm4b:s29+s3], $0x80, $0x38;
	[tilespmem:$0xC180] =	vst v63  }
0x53: {  	_ = 	snop  }
0x54: {  	[tilespmem:s19], [sflag:$0x1] =	stream.linear.gather [hbm4b:s30+s3], $0x4000, $0x38;
	[tilespmem:$0xC180] =	vst v63  }
0x55: {  	_ =	swait.ge [sflag:s21], $0x80  }
0x56: {  	[sflag:s21] =	ssyncset.done $0x0  }
0x57: {  	[sflag:s21] =	ssyncadd.s32 $0xFFFFFF80  }
0x58: {  	_ =	swait.ge [sflag:s21], $0x4000  }
0x59: {  	[sflag:s21] =	ssyncset.done $0x0  }
0x5a: {  	[sflag:s21] =	ssyncadd.s32 $0xFFFFC000  }
0x5b: {  	[spmem:s1] =	stream.indirect.scatter.add.f32 [tilespmem:s24], [sflag:$0x4], $0x80, s23, s22, $0xb8;
	[tilespmem:$0xC180] =	vst v63  }
.LBB2_9:
0x5c: {  	s31 =	sadd.s32 $0x1, s31  }
0x5d: {  	p2 =	sne.s32 s31, $0x17  }
.Ltmp3:
0x5e: {  	_ = 	snop;
	(pc) =	sbr.rel @!p2 .LBB2_10-.Ltmp3, $2  }
0x5f: {  	_ =	sdelay $0x2  }
0x60: {  	s30 =	sadd.s32 $0x800, s30;
	s29 =	sadd.s32 $0x10, s29  }
.LBB2_2:
0x61: {  	s0 =	sand.u32 $0x1, s31  }
0x62: {  	p2 =	seq.s32 s0, $0x1  }
.Ltmp4:
0x63: {  	_ = 	snop;
	(pc) =	sbr.rel @p2 .LBB2_8-.Ltmp4, $1  }
0x64: {  	_ =	sdelay $0x3  }
0x65: {  	p2 =	seq.s32 s31, $0x0  }
.Ltmp5:
0x66: {  	_ = 	snop;
	(pc) =	sbr.rel @p2 .LBB2_6-.Ltmp5, $1  }
0x67: {  	_ =	sdelay $0x3  }
0x68: {  	p2 =	seq.s32 s31, $0x17  }
.Ltmp6:
0x69: {  	_ = 	snop;
	(pc) =	sbr.rel @p2 .LBB2_7-.Ltmp6, $1  }
0x6a: {  	_ =	sdelay $0x3  }
0x6b: {  	_ =	swait.ge [sflag:s25], $0x4000  }
0x6c: {  	[sflag:s25] =	ssyncset.done $0x0  }
0x6d: {  	[sflag:s25] =	ssyncadd.s32 $0xFFFFC000  }
.LBB2_6:
0x6e: {  	[tilespmem:s23], [sflag:$0x2] =	stream.linear.gather [hbm4b:s29+s3], $0x80, $0x38;
	[tilespmem:$0xC180] =	vst v63  }
0x6f: {  	_ = 	snop  }
0x70: {  	[tilespmem:s24], [sflag:$0x2] =	stream.linear.gather [hbm4b:s30+s3], $0x4000, $0x38;
	[tilespmem:$0xC180] =	vst v63  }
.LBB2_7:
0x71: {  	_ =	swait.ge [sflag:s26], $0x80  }
0x72: {  	p2 =	seq.s32 s0, $0x0;
	[sflag:s26] =	ssyncset.done $0x0  }
.Ltmp7:
0x73: {  	[sflag:s26] =	ssyncadd.s32 $0xFFFFFF80;
	(pc) =	sbr.rel @p2 .LBB2_9-.Ltmp7, $4  }
.Ltmp8:
0x74: {  	_ =	swait.ge [sflag:s26], $0x4000;
	(pc) =	sbr.rel @!p2 .LBB2_8-.Ltmp8, $4  }
0x75: {  	[sflag:s26] =	ssyncset.done $0x0  }
0x76: {  	[sflag:s26] =	ssyncadd.s32 $0xFFFFC000  }
0x77: {  	[spmem:s1] =	stream.indirect.scatter.add.f32 [tilespmem:s19], [sflag:$0x3], $0x80, s18, s22, $0xb8;
	[tilespmem:$0xC180] =	vst v63  }
0x78: {  	_ = 	snop  }
.LBB2_11:
0x79: {  	_ =	sfence.sel $0x180000  }
0x7a: {  	[bflag:$0x0] =	sbarrier.arrive $0xFFFF  }
0x7b: {  	_ =	strace $0x90000047  }
0x7c: {  	[bflag:$0x2] =	sbarrier.arrive $0xFFFF  }
0x7d: {  	p0 =	sne.s32 s2, $0x0;
	s0 =	rddreg [dreg:$0x5]  }
0x7e: {  	s0 =	sadd.s32 @!p0 $0x100000, s0  }
0x7f: {  	[sflag:s0] =	ssyncadd.tile.s32 @!p0 $0x1;
	_ =	shalt  }
.Lfunc_end2:
_tile_overlayer_lowered:
.L_overlay_start_2:
0x80: {  	(tag) =	ssettag $0x2  }
0x81: {  	s0 =	rddreg [dreg:$0x0];
	s2 =	stileid.u32  }
0x82: {  	s1 =	rddreg [dreg:$0x1];
	p0 =	sne.s32 s2, $0x0  }
0x83: {  	s3 =	rddreg [dreg:$0x2];
	[bflag:$0x3] =	sbarrier.arrive $0xFFFF;
	s2 =	simm.s32 @!p0 $0x1C05  }
0x84: {  	[timem:s3], [sflag:s2] =	dma.local @!p0 [hbm:s0], s1  }
0x85: {  	s0 =	simm.s32 @!p0 $0x5  }
0x86: {  	_ =	swait.ge @!p0 [sflag:s0], s1  }
0x87: {  	s1 =	ssub.s32 @!p0 $0x0, s1;
	[sflag:s0] =	ssyncset.done @!p0 $0x0  }
0x88: {  	[sflag:s0] =	ssyncadd.s32 @!p0 s1  }
0x89: {  	[bflag:$0x3] =	sbarrier.arrive $0xFFFF  }
0x8a: {  	_ =	shalt  }

</sc_bundles>
